<compile_context>
chip_gen: v7x
topology: tpu7x:2x2x1
jax: 0.10.2.dev20260603
libtpu: 0.0.44.dev20260713+nightly
codegen_flags: <defaults>
</compile_context>

<pallas_src>
import math

import jax
import jax.numpy as jnp
import numpy as np
from jax.experimental import pallas as pl
from jax.experimental.pallas import tpu as pltpu

_IMAGE_SIZE = 1024.0
_C = 256
_NPF = _C // 2


def _coeff_table():
    i = np.arange(_NPF, dtype=np.float64)
    dim_t = 10000.0 ** (2.0 * np.floor(i / 2.0) / _NPF)
    freq = (2.0 * math.pi / _IMAGE_SIZE) / dim_t
    even = (np.arange(_NPF) % 2) == 0
    k = np.zeros((6, _NPF), dtype=np.float64)
    k[1, even], k[3, even], k[5, even] = 1.0, -1.0 / 6.0, 1.0 / 120.0
    k[0, ~even], k[2, ~even], k[4, ~even] = 1.0, -0.5, 1.0 / 24.0
    out = np.zeros((8, _NPF), dtype=np.float64)
    out[0] = freq
    out[1:7] = k
    return out.astype(np.float32)


_COEFFS = _coeff_table()


def _body(pts_ref, bxs_ref, feats_ref, coef_ref, rows_ref, out_ref):
    tq = feats_ref.shape[1]
    c = feats_ref.shape[2]
    freq = coef_ref[0, :]
    k0, k1, k2 = coef_ref[1, :], coef_ref[2, :], coef_ref[3, :]
    k3, k4, k5 = coef_ref[4, :], coef_ref[5, :], coef_ref[6, :]
    content = feats_ref[0]

    def pe_half(coord):
        ang = coord * freq[None, :]
        a2 = ang * ang
        even_p = k0[None, :] + a2 * (k2[None, :] + a2 * k4[None, :])
        odd_p = k1[None, :] + a2 * (k3[None, :] + a2 * k5[None, :])
        return even_p + ang * odd_p

    def pe(x, y):
        return jnp.concatenate([pe_half(y), pe_half(x)], axis=1)

    x = pts_ref[0, :, 0:1]
    y = pts_ref[0, :, 1:2]
    out_ref[0, 0, :, 0, :] = pe(x, y) + (content + rows_ref[0, :][None, :])
    out_ref[0, 0, :, 1, :] = jnp.broadcast_to(rows_ref[3, :], (tq, c))
    out_ref[0, 0, :, 2, :] = jnp.broadcast_to(rows_ref[4, :], (tq, c))

    x1 = bxs_ref[0, :, 0:1]
    y1 = bxs_ref[0, :, 1:2]
    x2 = bxs_ref[0, :, 2:3]
    y2 = bxs_ref[0, :, 3:4]
    out_ref[1, 0, :, 0, :] = pe(x1, y1) + (content + rows_ref[1, :][None, :])
    out_ref[1, 0, :, 1, :] = pe(x2, y2) + (content + rows_ref[2, :][None, :])
    out_ref[1, 0, :, 2, :] = jnp.broadcast_to(rows_ref[5, :], (tq, c))


def kernel(points, boxes, points_multi, feats_centers, corner_emb, point_emb,
           box_emb, attr_emb_weight, mask_emb):
    del points_multi
    B, Q, C = feats_centers.shape
    TQ = 1024

    rowconsts = jnp.stack([
        point_emb[0, 0] + attr_emb_weight[1],
        corner_emb[0, 0] + box_emb[0, 0],
        corner_emb[0, 1] + box_emb[0, 0],
        mask_emb[0, -2],
        mask_emb[0, -1],
        mask_emb[0, 0],
        jnp.zeros((C,), jnp.float32),
        jnp.zeros((C,), jnp.float32),
    ])
    coeffs = jnp.asarray(_COEFFS)

    grid = (B, Q // TQ)
    out = pl.pallas_call(
        _body,
        grid=grid,
        in_specs=[
            pl.BlockSpec((1, TQ, 2), lambda b, q: (b, q, 0)),
            pl.BlockSpec((1, TQ, 4), lambda b, q: (b, q, 0)),
            pl.BlockSpec((1, TQ, C), lambda b, q: (b, q, 0)),
            pl.BlockSpec((8, C // 2), lambda b, q: (0, 0)),
            pl.BlockSpec((8, C), lambda b, q: (0, 0)),
        ],
        out_specs=pl.BlockSpec((2, 1, TQ, 3, C), lambda b, q: (0, b, q, 0, 0)),
        out_shape=jax.ShapeDtypeStruct((2, B, Q, 3, C), jnp.float32),
        compiler_params=pltpu.CompilerParams(
            dimension_semantics=("parallel", "parallel"),
        ),
    )(points, boxes, feats_centers, coeffs, rowconsts)
    out = out.reshape(2 * B, Q, 3, C)
    return (out, out)

# --- scband reference (transcript-rebuilt; emitter-appended) ---
"""Pipeline reference for scband-prompt-encoder2-68427418960012 (READ-ONLY COPY).

The authoritative reference and input builder live on the scoring server;
editing this copy changes nothing except your own understanding.
"""

import jax, jax.numpy as jnp
import numpy as np

IMAGE_SIZE = (1024, 1024)
EMBED_DIM = 256
NUM_MASKS = 4


def pos_with_coords(coords, image_size, num_pos_feats, temperature=10000.0):
    # PositionEmbeddingSine(embed_dim//2, normalize=True).forward_with_coords
    H, W = image_size
    scale = 2.0 * np.pi
    x = coords[..., 0] / float(W) * scale
    y = coords[..., 1] / float(H) * scale
    dim_t = jnp.arange(num_pos_feats, dtype=jnp.float32)
    dim_t = temperature ** (2.0 * jnp.floor(dim_t / 2.0) / num_pos_feats)
    pos_x = x[..., None] / dim_t
    pos_y = y[..., None] / dim_t
    pos_x = jnp.stack((jnp.sin(pos_x[..., 0::2]), jnp.cos(pos_x[..., 1::2])), axis=-1).reshape(pos_x.shape[:-1] + (num_pos_feats,))
    pos_y = jnp.stack((jnp.sin(pos_y[..., 0::2]), jnp.cos(pos_y[..., 1::2])), axis=-1).reshape(pos_y.shape[:-1] + (num_pos_feats,))
    return jnp.concatenate([pos_y, pos_x], axis=-1)


def setup_inputs(seed: int = 0) -> dict:
    key = jax.random.key(seed)
    ks = jax.random.split(key, 9)
    B, Q, C = 16, 1024, EMBED_DIM
    points = jax.random.uniform(ks[0], (B, Q, 2), dtype=jnp.float32)
    boxes = jax.random.uniform(ks[1], (B, Q, 4), dtype=jnp.float32)
    points_multi = jnp.zeros((2, 0, 1, 2), dtype=jnp.float32)  # empty -> zero loop iterations
    feats_centers = jax.random.normal(ks[2], (B, Q, C), dtype=jnp.float32)
    corner_emb = jax.random.normal(ks[3], (1, 2, C), dtype=jnp.float32)
    point_emb = jax.random.normal(ks[4], (1, 1, C), dtype=jnp.float32)
    box_emb = jax.random.normal(ks[5], (1, 1, C), dtype=jnp.float32)
    attr_emb_weight = jax.random.normal(ks[6], (2, C), dtype=jnp.float32)
    mask_emb = jax.random.normal(ks[7], (1, NUM_MASKS + 2, C), dtype=jnp.float32)
    return {
        'points': points, 'boxes': boxes, 'points_multi': points_multi,
        'feats_centers': feats_centers, 'corner_emb': corner_emb,
        'point_emb': point_emb, 'box_emb': box_emb,
        'attr_emb_weight': attr_emb_weight, 'mask_emb': mask_emb,
    }


def reference(points, boxes, points_multi, feats_centers, corner_emb, point_emb, box_emb, attr_emb_weight, mask_emb):
    B, Q, C = feats_centers.shape
    npf = C // 2
    # ---- point prompts: _embed_point, vectorized over the batch loop ----
    pts = points.reshape(B, Q, 1, 2)
    pe_pt = pos_with_coords(pts, IMAGE_SIZE, npf)                 # [B,Q,1,C]
    attr = attr_emb_weight[1]                                      # attr_emb(ones) -> row 1, [C]
    content = feats_centers[:, :, None, :]                         # [B,Q,1,C]
    task_pt = pe_pt + point_emb + content + attr                   # [B,Q,1,C]
    out_pt = jnp.broadcast_to(mask_emb[0, -2:], (B, Q, 2, C))      # mask_emb.repeat(N,1,1)[:, -2:]
    task_pt = jnp.concatenate([task_pt, out_pt], axis=2)           # [B,Q,3,C]
    # ---- box prompts: _embed_box, vectorized over the batch loop ----
    bx = boxes.reshape(B, Q, 2, 2)
    pe_bx = pos_with_coords(bx, IMAGE_SIZE, npf)                   # [B,Q,2,C]
    task_bx = pe_bx + corner_emb[0] + box_emb[0] + content         # [B,Q,2,C]
    out_bx = jnp.broadcast_to(mask_emb[0, :1], (B, Q, 1, C))       # mask_emb.repeat(N,1,1)[:, :1]
    task_bx = jnp.concatenate([task_bx, out_bx], axis=2)           # [B,Q,3,C]
    # points_multi is empty ([2,0,...]) -> its loop contributes nothing
    task_emb = jnp.concatenate([task_pt, task_bx], axis=0)         # stack of B point + B box entries -> [2B,Q,3,C]
    pos_emb = task_emb
    return (task_emb, pos_emb)

if __name__ == "__main__":
    import jax
    _d = setup_inputs()
    print(jax.jit(kernel)(*tuple(_d.values())))

</pallas_src>

<mosaic_0001>
module attributes {stable_mosaic.version = 14 : i64} {
  func.func @_body(%arg0: i32, %arg1: i32, %arg2: memref<1x1024x2xf32, #tpu.memory_space<vmem>>, %arg3: memref<1x1024x4xf32, #tpu.memory_space<vmem>>, %arg4: memref<1x1024x256xf32, #tpu.memory_space<vmem>>, %arg5: memref<8x128xf32, #tpu.memory_space<vmem>>, %arg6: memref<8x256xf32, #tpu.memory_space<vmem>>, %arg7: memref<2x1x1024x3x256xf32, #tpu.memory_space<vmem>>) attributes {dimension_semantics = [#tpu.dimension_semantics<parallel>, #tpu.dimension_semantics<parallel>], iteration_bounds = array<i64: 16, 1>, scalar_prefetch = 0 : i64, scratch_operands = 0 : i64, tpu.core_type = #tpu.core_type<tc>, window_params = [{transform_indices = @transform_0, window_bounds = array<i64: 1, 1024, 2>}, {transform_indices = @transform_1, window_bounds = array<i64: 1, 1024, 4>}, {transform_indices = @transform_2, window_bounds = array<i64: 1, 1024, 256>}, {pipeline_mode = #tpu.pipeline_mode<synchronous>, transform_indices = @transform_3, window_bounds = array<i64: 8, 128>}, {pipeline_mode = #tpu.pipeline_mode<synchronous>, transform_indices = @transform_4, window_bounds = array<i64: 8, 256>}, {transform_indices = @transform_5, window_bounds = array<i64: 2, 1, 1024, 3, 256>}]} {
    %get3A = arith.constant 0 : index
    %get3A_0 = arith.constant 0 : index
    %get3A_1 = vector.load %arg5[%get3A, %get3A_0] : memref<8x128xf32, #tpu.memory_space<vmem>>, vector<1x128xf32>
    %get3A_2 = vector.shape_cast %get3A_1 : vector<1x128xf32> to vector<128xf32>
    %get3A_3 = arith.constant 1 : index
    %get3A_4 = arith.constant 0 : index
    %get3A_5 = vector.load %arg5[%get3A_3, %get3A_4] : memref<8x128xf32, #tpu.memory_space<vmem>>, vector<1x128xf32>
    %get3A_6 = vector.shape_cast %get3A_5 : vector<1x128xf32> to vector<128xf32>
    %get3A_7 = arith.constant 2 : index
    %get3A_8 = arith.constant 0 : index
    %get3A_9 = vector.load %arg5[%get3A_7, %get3A_8] : memref<8x128xf32, #tpu.memory_space<vmem>>, vector<1x128xf32>
    %get3A_10 = vector.shape_cast %get3A_9 : vector<1x128xf32> to vector<128xf32>
    %get3A_11 = arith.constant 3 : index
    %get3A_12 = arith.constant 0 : index
    %get3A_13 = vector.load %arg5[%get3A_11, %get3A_12] : memref<8x128xf32, #tpu.memory_space<vmem>>, vector<1x128xf32>
    %get3A_14 = vector.shape_cast %get3A_13 : vector<1x128xf32> to vector<128xf32>
    %get3A_15 = arith.constant 4 : index
    %get3A_16 = arith.constant 0 : index
    %get3A_17 = vector.load %arg5[%get3A_15, %get3A_16] : memref<8x128xf32, #tpu.memory_space<vmem>>, vector<1x128xf32>
    %get3A_18 = vector.shape_cast %get3A_17 : vector<1x128xf32> to vector<128xf32>
    %get3A_19 = arith.constant 5 : index
    %get3A_20 = arith.constant 0 : index
    %get3A_21 = vector.load %arg5[%get3A_19, %get3A_20] : memref<8x128xf32, #tpu.memory_space<vmem>>, vector<1x128xf32>
    %get3A_22 = vector.shape_cast %get3A_21 : vector<1x128xf32> to vector<128xf32>
    %get3A_23 = arith.constant 6 : index
    %get3A_24 = arith.constant 0 : index
    %get3A_25 = vector.load %arg5[%get3A_23, %get3A_24] : memref<8x128xf32, #tpu.memory_space<vmem>>, vector<1x128xf32>
    %get3A_26 = vector.shape_cast %get3A_25 : vector<1x128xf32> to vector<128xf32>
    %get3A_27 = arith.constant 0 : index
    %get3A_28 = arith.constant 0 : index
    %get3A_29 = arith.constant 0 : index
    %get3A_30 = vector.load %arg4[%get3A_27, %get3A_28, %get3A_29] : memref<1x1024x256xf32, #tpu.memory_space<vmem>>, vector<1x1024x256xf32>
    %get3A_31 = vector.shape_cast %get3A_30 : vector<1x1024x256xf32> to vector<1024x256xf32>
    %get3A_32 = arith.constant 0 : index
    %get3A_33 = arith.constant 0 : index
    %get3A_34 = arith.constant 0 : index
    %get3A_35 = vector.load %arg2[%get3A_32, %get3A_33, %get3A_34] : memref<1x1024x2xf32, #tpu.memory_space<vmem>>, vector<1x1024x1xf32>
    %get3A_36 = vector.shape_cast %get3A_35 : vector<1x1024x1xf32> to vector<1024x1xf32>
    %get3A_37 = arith.constant 0 : index
    %get3A_38 = arith.constant 0 : index
    %get3A_39 = arith.constant 1 : index
    %get3A_40 = vector.load %arg2[%get3A_37, %get3A_38, %get3A_39] : memref<1x1024x2xf32, #tpu.memory_space<vmem>>, vector<1x1024x1xf32>
    %get3A_41 = vector.shape_cast %get3A_40 : vector<1x1024x1xf32> to vector<1024x1xf32>
    %broadcast_in_dim3A = vector.shape_cast %get3A_2 : vector<128xf32> to vector<1x128xf32>
    %mul3A = vector.broadcast %get3A_41 : vector<1024x1xf32> to vector<1024x128xf32>
    %mul3A_42 = vector.broadcast %broadcast_in_dim3A : vector<1x128xf32> to vector<1024x128xf32>
    %mul3A_43 = arith.mulf %mul3A, %mul3A_42 : vector<1024x128xf32>
    %mul3A_44 = arith.mulf %mul3A_43, %mul3A_43 : vector<1024x128xf32>
    %broadcast_in_dim3A_45 = vector.shape_cast %get3A_6 : vector<128xf32> to vector<1x128xf32>
    %broadcast_in_dim3A_46 = vector.shape_cast %get3A_14 : vector<128xf32> to vector<1x128xf32>
    %broadcast_in_dim3A_47 = vector.shape_cast %get3A_22 : vector<128xf32> to vector<1x128xf32>
    %mul3A_48 = vector.broadcast %broadcast_in_dim3A_47 : vector<1x128xf32> to vector<1024x128xf32>
    %mul3A_49 = arith.mulf %mul3A_44, %mul3A_48 : vector<1024x128xf32>
    %add3A = vector.broadcast %broadcast_in_dim3A_46 : vector<1x128xf32> to vector<1024x128xf32>
    %add3A_50 = arith.addf %add3A, %mul3A_49 : vector<1024x128xf32>
    %mul3A_51 = arith.mulf %mul3A_44, %add3A_50 : vector<1024x128xf32>
    %add3A_52 = vector.broadcast %broadcast_in_dim3A_45 : vector<1x128xf32> to vector<1024x128xf32>
    %add3A_53 = arith.addf %add3A_52, %mul3A_51 : vector<1024x128xf32>
    %broadcast_in_dim3A_54 = vector.shape_cast %get3A_10 : vector<128xf32> to vector<1x128xf32>
    %broadcast_in_dim3A_55 = vector.shape_cast %get3A_18 : vector<128xf32> to vector<1x128xf32>
    %broadcast_in_dim3A_56 = vector.shape_cast %get3A_26 : vector<128xf32> to vector<1x128xf32>
    %mul3A_57 = vector.broadcast %broadcast_in_dim3A_56 : vector<1x128xf32> to vector<1024x128xf32>
    %mul3A_58 = arith.mulf %mul3A_44, %mul3A_57 : vector<1024x128xf32>
    %add3A_59 = vector.broadcast %broadcast_in_dim3A_55 : vector<1x128xf32> to vector<1024x128xf32>
    %add3A_60 = arith.addf %add3A_59, %mul3A_58 : vector<1024x128xf32>
    %mul3A_61 = arith.mulf %mul3A_44, %add3A_60 : vector<1024x128xf32>
    %add3A_62 = vector.broadcast %broadcast_in_dim3A_54 : vector<1x128xf32> to vector<1024x128xf32>
    %add3A_63 = arith.addf %add3A_62, %mul3A_61 : vector<1024x128xf32>
    %mul3A_64 = arith.mulf %mul3A_43, %add3A_63 : vector<1024x128xf32>
    %add3A_65 = arith.addf %add3A_53, %mul3A_64 : vector<1024x128xf32>
    %broadcast_in_dim3A_66 = vector.shape_cast %get3A_2 : vector<128xf32> to vector<1x128xf32>
    %mul3A_67 = vector.broadcast %get3A_36 : vector<1024x1xf32> to vector<1024x128xf32>
    %mul3A_68 = vector.broadcast %broadcast_in_dim3A_66 : vector<1x128xf32> to vector<1024x128xf32>
    %mul3A_69 = arith.mulf %mul3A_67, %mul3A_68 : vector<1024x128xf32>
    %mul3A_70 = arith.mulf %mul3A_69, %mul3A_69 : vector<1024x128xf32>
    %broadcast_in_dim3A_71 = vector.shape_cast %get3A_6 : vector<128xf32> to vector<1x128xf32>
    %broadcast_in_dim3A_72 = vector.shape_cast %get3A_14 : vector<128xf32> to vector<1x128xf32>
    %broadcast_in_dim3A_73 = vector.shape_cast %get3A_22 : vector<128xf32> to vector<1x128xf32>
    %mul3A_74 = vector.broadcast %broadcast_in_dim3A_73 : vector<1x128xf32> to vector<1024x128xf32>
    %mul3A_75 = arith.mulf %mul3A_70, %mul3A_74 : vector<1024x128xf32>
    %add3A_76 = vector.broadcast %broadcast_in_dim3A_72 : vector<1x128xf32> to vector<1024x128xf32>
    %add3A_77 = arith.addf %add3A_76, %mul3A_75 : vector<1024x128xf32>
    %mul3A_78 = arith.mulf %mul3A_70, %add3A_77 : vector<1024x128xf32>
    %add3A_79 = vector.broadcast %broadcast_in_dim3A_71 : vector<1x128xf32> to vector<1024x128xf32>
    %add3A_80 = arith.addf %add3A_79, %mul3A_78 : vector<1024x128xf32>
    %broadcast_in_dim3A_81 = vector.shape_cast %get3A_10 : vector<128xf32> to vector<1x128xf32>
    %broadcast_in_dim3A_82 = vector.shape_cast %get3A_18 : vector<128xf32> to vector<1x128xf32>
    %broadcast_in_dim3A_83 = vector.shape_cast %get3A_26 : vector<128xf32> to vector<1x128xf32>
    %mul3A_84 = vector.broadcast %broadcast_in_dim3A_83 : vector<1x128xf32> to vector<1024x128xf32>
    %mul3A_85 = arith.mulf %mul3A_70, %mul3A_84 : vector<1024x128xf32>
    %add3A_86 = vector.broadcast %broadcast_in_dim3A_82 : vector<1x128xf32> to vector<1024x128xf32>
    %add3A_87 = arith.addf %add3A_86, %mul3A_85 : vector<1024x128xf32>
    %mul3A_88 = arith.mulf %mul3A_70, %add3A_87 : vector<1024x128xf32>
    %add3A_89 = vector.broadcast %broadcast_in_dim3A_81 : vector<1x128xf32> to vector<1024x128xf32>
    %add3A_90 = arith.addf %add3A_89, %mul3A_88 : vector<1024x128xf32>
    %mul3A_91 = arith.mulf %mul3A_69, %add3A_90 : vector<1024x128xf32>
    %add3A_92 = arith.addf %add3A_80, %mul3A_91 : vector<1024x128xf32>
    %concatenate3A = tpu.concatenate %add3A_65, %add3A_92 in 1 : vector<1024x128xf32>, vector<1024x128xf32> -> vector<1024x256xf32>
    %get3A_93 = arith.constant 0 : index
    %get3A_94 = arith.constant 0 : index
    %get3A_95 = vector.load %arg6[%get3A_93, %get3A_94] : memref<8x256xf32, #tpu.memory_space<vmem>>, vector<1x256xf32>
    %get3A_96 = vector.shape_cast %get3A_95 : vector<1x256xf32> to vector<256xf32>
    %broadcast_in_dim3A_97 = vector.shape_cast %get3A_96 : vector<256xf32> to vector<1x256xf32>
    %add3A_98 = vector.broadcast %broadcast_in_dim3A_97 : vector<1x256xf32> to vector<1024x256xf32>
    %add3A_99 = arith.addf %get3A_31, %add3A_98 : vector<1024x256xf32>
    %add3A_100 = arith.addf %concatenate3A, %add3A_99 : vector<1024x256xf32>
    %swap3A = arith.constant 0 : index
    %swap3A_101 = arith.constant 0 : index
    %swap3A_102 = arith.constant 0 : index
    %swap3A_103 = arith.constant 0 : index
    %swap3A_104 = arith.constant 0 : index
    %swap3A_105 = vector.load %arg7[%swap3A, %swap3A_101, %swap3A_102, %swap3A_103, %swap3A_104] : memref<2x1x1024x3x256xf32, #tpu.memory_space<vmem>>, vector<1x1x1024x1x256xf32>
    %swap3A_106 = vector.shape_cast %swap3A_105 : vector<1x1x1024x1x256xf32> to vector<1024x256xf32>
    %swap3A_107 = vector.shape_cast %add3A_100 : vector<1024x256xf32> to vector<1x1x1024x1x256xf32>
    tpu.vector_store %arg7[%swap3A, %swap3A_101, %swap3A_102, %swap3A_103, %swap3A_104], %swap3A_107 {strides = array<i32>} : memref<2x1x1024x3x256xf32, #tpu.memory_space<vmem>>, vector<1x1x1024x1x256xf32>,
    %get3A_108 = arith.constant 3 : index
    %get3A_109 = arith.constant 0 : index
    %get3A_110 = vector.load %arg6[%get3A_108, %get3A_109] : memref<8x256xf32, #tpu.memory_space<vmem>>, vector<1x256xf32>
    %get3A_111 = vector.shape_cast %get3A_110 : vector<1x256xf32> to vector<256xf32>
    %broadcast_in_dim3A_112 = vector.shape_cast %get3A_111 : vector<256xf32> to vector<1x256xf32>
    %broadcast_in_dim3A_113 = vector.broadcast %broadcast_in_dim3A_112 : vector<1x256xf32> to vector<1024x256xf32>
    %swap3A_114 = arith.constant 0 : index
    %swap3A_115 = arith.constant 0 : index
    %swap3A_116 = arith.constant 0 : index
    %swap3A_117 = arith.constant 1 : index
    %swap3A_118 = arith.constant 0 : index
    %swap3A_119 = vector.load %arg7[%swap3A_114, %swap3A_115, %swap3A_116, %swap3A_117, %swap3A_118] : memref<2x1x1024x3x256xf32, #tpu.memory_space<vmem>>, vector<1x1x1024x1x256xf32>
    %swap3A_120 = vector.shape_cast %swap3A_119 : vector<1x1x1024x1x256xf32> to vector<1024x256xf32>
    %swap3A_121 = vector.shape_cast %broadcast_in_dim3A_113 : vector<1024x256xf32> to vector<1x1x1024x1x256xf32>
    tpu.vector_store %arg7[%swap3A_114, %swap3A_115, %swap3A_116, %swap3A_117, %swap3A_118], %swap3A_121 {strides = array<i32>} : memref<2x1x1024x3x256xf32, #tpu.memory_space<vmem>>, vector<1x1x1024x1x256xf32>,
    %get3A_122 = arith.constant 4 : index
    %get3A_123 = arith.constant 0 : index
    %get3A_124 = vector.load %arg6[%get3A_122, %get3A_123] : memref<8x256xf32, #tpu.memory_space<vmem>>, vector<1x256xf32>
    %get3A_125 = vector.shape_cast %get3A_124 : vector<1x256xf32> to vector<256xf32>
    %broadcast_in_dim3A_126 = vector.shape_cast %get3A_125 : vector<256xf32> to vector<1x256xf32>
    %broadcast_in_dim3A_127 = vector.broadcast %broadcast_in_dim3A_126 : vector<1x256xf32> to vector<1024x256xf32>
    %swap3A_128 = arith.constant 0 : index
    %swap3A_129 = arith.constant 0 : index
    %swap3A_130 = arith.constant 0 : index
    %swap3A_131 = arith.constant 2 : index
    %swap3A_132 = arith.constant 0 : index
    %swap3A_133 = vector.load %arg7[%swap3A_128, %swap3A_129, %swap3A_130, %swap3A_131, %swap3A_132] : memref<2x1x1024x3x256xf32, #tpu.memory_space<vmem>>, vector<1x1x1024x1x256xf32>
    %swap3A_134 = vector.shape_cast %swap3A_133 : vector<1x1x1024x1x256xf32> to vector<1024x256xf32>
    %swap3A_135 = vector.shape_cast %broadcast_in_dim3A_127 : vector<1024x256xf32> to vector<1x1x1024x1x256xf32>
    tpu.vector_store %arg7[%swap3A_128, %swap3A_129, %swap3A_130, %swap3A_131, %swap3A_132], %swap3A_135 {strides = array<i32>} : memref<2x1x1024x3x256xf32, #tpu.memory_space<vmem>>, vector<1x1x1024x1x256xf32>,
    %get3A_136 = arith.constant 0 : index
    %get3A_137 = arith.constant 0 : index
    %get3A_138 = arith.constant 0 : index
    %get3A_139 = vector.load %arg3[%get3A_136, %get3A_137, %get3A_138] : memref<1x1024x4xf32, #tpu.memory_space<vmem>>, vector<1x1024x1xf32>
    %get3A_140 = vector.shape_cast %get3A_139 : vector<1x1024x1xf32> to vector<1024x1xf32>
    %get3A_141 = arith.constant 0 : index
    %get3A_142 = arith.constant 0 : index
    %get3A_143 = arith.constant 1 : index
    %get3A_144 = vector.load %arg3[%get3A_141, %get3A_142, %get3A_143] : memref<1x1024x4xf32, #tpu.memory_space<vmem>>, vector<1x1024x1xf32>
    %get3A_145 = vector.shape_cast %get3A_144 : vector<1x1024x1xf32> to vector<1024x1xf32>
    %get3A_146 = arith.constant 0 : index
    %get3A_147 = arith.constant 0 : index
    %get3A_148 = arith.constant 2 : index
    %get3A_149 = vector.load %arg3[%get3A_146, %get3A_147, %get3A_148] : memref<1x1024x4xf32, #tpu.memory_space<vmem>>, vector<1x1024x1xf32>
    %get3A_150 = vector.shape_cast %get3A_149 : vector<1x1024x1xf32> to vector<1024x1xf32>
    %get3A_151 = arith.constant 0 : index
    %get3A_152 = arith.constant 0 : index
    %get3A_153 = arith.constant 3 : index
    %get3A_154 = vector.load %arg3[%get3A_151, %get3A_152, %get3A_153] : memref<1x1024x4xf32, #tpu.memory_space<vmem>>, vector<1x1024x1xf32>
    %get3A_155 = vector.shape_cast %get3A_154 : vector<1x1024x1xf32> to vector<1024x1xf32>
    %broadcast_in_dim3A_156 = vector.shape_cast %get3A_2 : vector<128xf32> to vector<1x128xf32>
    %mul3A_157 = vector.broadcast %get3A_145 : vector<1024x1xf32> to vector<1024x128xf32>
    %mul3A_158 = vector.broadcast %broadcast_in_dim3A_156 : vector<1x128xf32> to vector<1024x128xf32>
    %mul3A_159 = arith.mulf %mul3A_157, %mul3A_158 : vector<1024x128xf32>
    %mul3A_160 = arith.mulf %mul3A_159, %mul3A_159 : vector<1024x128xf32>
    %broadcast_in_dim3A_161 = vector.shape_cast %get3A_6 : vector<128xf32> to vector<1x128xf32>
    %broadcast_in_dim3A_162 = vector.shape_cast %get3A_14 : vector<128xf32> to vector<1x128xf32>
    %broadcast_in_dim3A_163 = vector.shape_cast %get3A_22 : vector<128xf32> to vector<1x128xf32>
    %mul3A_164 = vector.broadcast %broadcast_in_dim3A_163 : vector<1x128xf32> to vector<1024x128xf32>
    %mul3A_165 = arith.mulf %mul3A_160, %mul3A_164 : vector<1024x128xf32>
    %add3A_166 = vector.broadcast %broadcast_in_dim3A_162 : vector<1x128xf32> to vector<1024x128xf32>
    %add3A_167 = arith.addf %add3A_166, %mul3A_165 : vector<1024x128xf32>
    %mul3A_168 = arith.mulf %mul3A_160, %add3A_167 : vector<1024x128xf32>
    %add3A_169 = vector.broadcast %broadcast_in_dim3A_161 : vector<1x128xf32> to vector<1024x128xf32>
    %add3A_170 = arith.addf %add3A_169, %mul3A_168 : vector<1024x128xf32>
    %broadcast_in_dim3A_171 = vector.shape_cast %get3A_10 : vector<128xf32> to vector<1x128xf32>
    %broadcast_in_dim3A_172 = vector.shape_cast %get3A_18 : vector<128xf32> to vector<1x128xf32>
    %broadcast_in_dim3A_173 = vector.shape_cast %get3A_26 : vector<128xf32> to vector<1x128xf32>
    %mul3A_174 = vector.broadcast %broadcast_in_dim3A_173 : vector<1x128xf32> to vector<1024x128xf32>
    %mul3A_175 = arith.mulf %mul3A_160, %mul3A_174 : vector<1024x128xf32>
    %add3A_176 = vector.broadcast %broadcast_in_dim3A_172 : vector<1x128xf32> to vector<1024x128xf32>
    %add3A_177 = arith.addf %add3A_176, %mul3A_175 : vector<1024x128xf32>
    %mul3A_178 = arith.mulf %mul3A_160, %add3A_177 : vector<1024x128xf32>
    %add3A_179 = vector.broadcast %broadcast_in_dim3A_171 : vector<1x128xf32> to vector<1024x128xf32>
    %add3A_180 = arith.addf %add3A_179, %mul3A_178 : vector<1024x128xf32>
    %mul3A_181 = arith.mulf %mul3A_159, %add3A_180 : vector<1024x128xf32>
    %add3A_182 = arith.addf %add3A_170, %mul3A_181 : vector<1024x128xf32>
    %broadcast_in_dim3A_183 = vector.shape_cast %get3A_2 : vector<128xf32> to vector<1x128xf32>
    %mul3A_184 = vector.broadcast %get3A_140 : vector<1024x1xf32> to vector<1024x128xf32>
    %mul3A_185 = vector.broadcast %broadcast_in_dim3A_183 : vector<1x128xf32> to vector<1024x128xf32>
    %mul3A_186 = arith.mulf %mul3A_184, %mul3A_185 : vector<1024x128xf32>
    %mul3A_187 = arith.mulf %mul3A_186, %mul3A_186 : vector<1024x128xf32>
    %broadcast_in_dim3A_188 = vector.shape_cast %get3A_6 : vector<128xf32> to vector<1x128xf32>
    %broadcast_in_dim3A_189 = vector.shape_cast %get3A_14 : vector<128xf32> to vector<1x128xf32>
    %broadcast_in_dim3A_190 = vector.shape_cast %get3A_22 : vector<128xf32> to vector<1x128xf32>
    %mul3A_191 = vector.broadcast %broadcast_in_dim3A_190 : vector<1x128xf32> to vector<1024x128xf32>
    %mul3A_192 = arith.mulf %mul3A_187, %mul3A_191 : vector<1024x128xf32>
    %add3A_193 = vector.broadcast %broadcast_in_dim3A_189 : vector<1x128xf32> to vector<1024x128xf32>
    %add3A_194 = arith.addf %add3A_193, %mul3A_192 : vector<1024x128xf32>
    %mul3A_195 = arith.mulf %mul3A_187, %add3A_194 : vector<1024x128xf32>
    %add3A_196 = vector.broadcast %broadcast_in_dim3A_188 : vector<1x128xf32> to vector<1024x128xf32>
    %add3A_197 = arith.addf %add3A_196, %mul3A_195 : vector<1024x128xf32>
    %broadcast_in_dim3A_198 = vector.shape_cast %get3A_10 : vector<128xf32> to vector<1x128xf32>
    %broadcast_in_dim3A_199 = vector.shape_cast %get3A_18 : vector<128xf32> to vector<1x128xf32>
    %broadcast_in_dim3A_200 = vector.shape_cast %get3A_26 : vector<128xf32> to vector<1x128xf32>
    %mul3A_201 = vector.broadcast %broadcast_in_dim3A_200 : vector<1x128xf32> to vector<1024x128xf32>
    %mul3A_202 = arith.mulf %mul3A_187, %mul3A_201 : vector<1024x128xf32>
    %add3A_203 = vector.broadcast %broadcast_in_dim3A_199 : vector<1x128xf32> to vector<1024x128xf32>
    %add3A_204 = arith.addf %add3A_203, %mul3A_202 : vector<1024x128xf32>
    %mul3A_205 = arith.mulf %mul3A_187, %add3A_204 : vector<1024x128xf32>
    %add3A_206 = vector.broadcast %broadcast_in_dim3A_198 : vector<1x128xf32> to vector<1024x128xf32>
    %add3A_207 = arith.addf %add3A_206, %mul3A_205 : vector<1024x128xf32>
    %mul3A_208 = arith.mulf %mul3A_186, %add3A_207 : vector<1024x128xf32>
    %add3A_209 = arith.addf %add3A_197, %mul3A_208 : vector<1024x128xf32>
    %concatenate3A_210 = tpu.concatenate %add3A_182, %add3A_209 in 1 : vector<1024x128xf32>, vector<1024x128xf32> -> vector<1024x256xf32>
    %get3A_211 = arith.constant 1 : index
    %get3A_212 = arith.constant 0 : index
    %get3A_213 = vector.load %arg6[%get3A_211, %get3A_212] : memref<8x256xf32, #tpu.memory_space<vmem>>, vector<1x256xf32>
    %get3A_214 = vector.shape_cast %get3A_213 : vector<1x256xf32> to vector<256xf32>
    %broadcast_in_dim3A_215 = vector.shape_cast %get3A_214 : vector<256xf32> to vector<1x256xf32>
    %add3A_216 = vector.broadcast %broadcast_in_dim3A_215 : vector<1x256xf32> to vector<1024x256xf32>
    %add3A_217 = arith.addf %get3A_31, %add3A_216 : vector<1024x256xf32>
    %add3A_218 = arith.addf %concatenate3A_210, %add3A_217 : vector<1024x256xf32>
    %swap3A_219 = arith.constant 1 : index
    %swap3A_220 = arith.constant 0 : index
    %swap3A_221 = arith.constant 0 : index
    %swap3A_222 = arith.constant 0 : index
    %swap3A_223 = arith.constant 0 : index
    %swap3A_224 = vector.load %arg7[%swap3A_219, %swap3A_220, %swap3A_221, %swap3A_222, %swap3A_223] : memref<2x1x1024x3x256xf32, #tpu.memory_space<vmem>>, vector<1x1x1024x1x256xf32>
    %swap3A_225 = vector.shape_cast %swap3A_224 : vector<1x1x1024x1x256xf32> to vector<1024x256xf32>
    %swap3A_226 = vector.shape_cast %add3A_218 : vector<1024x256xf32> to vector<1x1x1024x1x256xf32>
    tpu.vector_store %arg7[%swap3A_219, %swap3A_220, %swap3A_221, %swap3A_222, %swap3A_223], %swap3A_226 {strides = array<i32>} : memref<2x1x1024x3x256xf32, #tpu.memory_space<vmem>>, vector<1x1x1024x1x256xf32>,
    %broadcast_in_dim3A_227 = vector.shape_cast %get3A_2 : vector<128xf32> to vector<1x128xf32>
    %mul3A_228 = vector.broadcast %get3A_155 : vector<1024x1xf32> to vector<1024x128xf32>
    %mul3A_229 = vector.broadcast %broadcast_in_dim3A_227 : vector<1x128xf32> to vector<1024x128xf32>
    %mul3A_230 = arith.mulf %mul3A_228, %mul3A_229 : vector<1024x128xf32>
    %mul3A_231 = arith.mulf %mul3A_230, %mul3A_230 : vector<1024x128xf32>
    %broadcast_in_dim3A_232 = vector.shape_cast %get3A_6 : vector<128xf32> to vector<1x128xf32>
    %broadcast_in_dim3A_233 = vector.shape_cast %get3A_14 : vector<128xf32> to vector<1x128xf32>
    %broadcast_in_dim3A_234 = vector.shape_cast %get3A_22 : vector<128xf32> to vector<1x128xf32>
    %mul3A_235 = vector.broadcast %broadcast_in_dim3A_234 : vector<1x128xf32> to vector<1024x128xf32>
    %mul3A_236 = arith.mulf %mul3A_231, %mul3A_235 : vector<1024x128xf32>
    %add3A_237 = vector.broadcast %broadcast_in_dim3A_233 : vector<1x128xf32> to vector<1024x128xf32>
    %add3A_238 = arith.addf %add3A_237, %mul3A_236 : vector<1024x128xf32>
    %mul3A_239 = arith.mulf %mul3A_231, %add3A_238 : vector<1024x128xf32>
    %add3A_240 = vector.broadcast %broadcast_in_dim3A_232 : vector<1x128xf32> to vector<1024x128xf32>
    %add3A_241 = arith.addf %add3A_240, %mul3A_239 : vector<1024x128xf32>
    %broadcast_in_dim3A_242 = vector.shape_cast %get3A_10 : vector<128xf32> to vector<1x128xf32>
    %broadcast_in_dim3A_243 = vector.shape_cast %get3A_18 : vector<128xf32> to vector<1x128xf32>
    %broadcast_in_dim3A_244 = vector.shape_cast %get3A_26 : vector<128xf32> to vector<1x128xf32>
    %mul3A_245 = vector.broadcast %broadcast_in_dim3A_244 : vector<1x128xf32> to vector<1024x128xf32>
    %mul3A_246 = arith.mulf %mul3A_231, %mul3A_245 : vector<1024x128xf32>
    %add3A_247 = vector.broadcast %broadcast_in_dim3A_243 : vector<1x128xf32> to vector<1024x128xf32>
    %add3A_248 = arith.addf %add3A_247, %mul3A_246 : vector<1024x128xf32>
    %mul3A_249 = arith.mulf %mul3A_231, %add3A_248 : vector<1024x128xf32>
    %add3A_250 = vector.broadcast %broadcast_in_dim3A_242 : vector<1x128xf32> to vector<1024x128xf32>
    %add3A_251 = arith.addf %add3A_250, %mul3A_249 : vector<1024x128xf32>
    %mul3A_252 = arith.mulf %mul3A_230, %add3A_251 : vector<1024x128xf32>
    %add3A_253 = arith.addf %add3A_241, %mul3A_252 : vector<1024x128xf32>
    %broadcast_in_dim3A_254 = vector.shape_cast %get3A_2 : vector<128xf32> to vector<1x128xf32>
    %mul3A_255 = vector.broadcast %get3A_150 : vector<1024x1xf32> to vector<1024x128xf32>
    %mul3A_256 = vector.broadcast %broadcast_in_dim3A_254 : vector<1x128xf32> to vector<1024x128xf32>
    %mul3A_257 = arith.mulf %mul3A_255, %mul3A_256 : vector<1024x128xf32>
    %mul3A_258 = arith.mulf %mul3A_257, %mul3A_257 : vector<1024x128xf32>
    %broadcast_in_dim3A_259 = vector.shape_cast %get3A_6 : vector<128xf32> to vector<1x128xf32>
    %broadcast_in_dim3A_260 = vector.shape_cast %get3A_14 : vector<128xf32> to vector<1x128xf32>
    %broadcast_in_dim3A_261 = vector.shape_cast %get3A_22 : vector<128xf32> to vector<1x128xf32>
    %mul3A_262 = vector.broadcast %broadcast_in_dim3A_261 : vector<1x128xf32> to vector<1024x128xf32>
    %mul3A_263 = arith.mulf %mul3A_258, %mul3A_262 : vector<1024x128xf32>
    %add3A_264 = vector.broadcast %broadcast_in_dim3A_260 : vector<1x128xf32> to vector<1024x128xf32>
    %add3A_265 = arith.addf %add3A_264, %mul3A_263 : vector<1024x128xf32>
    %mul3A_266 = arith.mulf %mul3A_258, %add3A_265 : vector<1024x128xf32>
    %add3A_267 = vector.broadcast %broadcast_in_dim3A_259 : vector<1x128xf32> to vector<1024x128xf32>
    %add3A_268 = arith.addf %add3A_267, %mul3A_266 : vector<1024x128xf32>
    %broadcast_in_dim3A_269 = vector.shape_cast %get3A_10 : vector<128xf32> to vector<1x128xf32>
    %broadcast_in_dim3A_270 = vector.shape_cast %get3A_18 : vector<128xf32> to vector<1x128xf32>
    %broadcast_in_dim3A_271 = vector.shape_cast %get3A_26 : vector<128xf32> to vector<1x128xf32>
    %mul3A_272 = vector.broadcast %broadcast_in_dim3A_271 : vector<1x128xf32> to vector<1024x128xf32>
    %mul3A_273 = arith.mulf %mul3A_258, %mul3A_272 : vector<1024x128xf32>
    %add3A_274 = vector.broadcast %broadcast_in_dim3A_270 : vector<1x128xf32> to vector<1024x128xf32>
    %add3A_275 = arith.addf %add3A_274, %mul3A_273 : vector<1024x128xf32>
    %mul3A_276 = arith.mulf %mul3A_258, %add3A_275 : vector<1024x128xf32>
    %add3A_277 = vector.broadcast %broadcast_in_dim3A_269 : vector<1x128xf32> to vector<1024x128xf32>
    %add3A_278 = arith.addf %add3A_277, %mul3A_276 : vector<1024x128xf32>
    %mul3A_279 = arith.mulf %mul3A_257, %add3A_278 : vector<1024x128xf32>
    %add3A_280 = arith.addf %add3A_268, %mul3A_279 : vector<1024x128xf32>
    %concatenate3A_281 = tpu.concatenate %add3A_253, %add3A_280 in 1 : vector<1024x128xf32>, vector<1024x128xf32> -> vector<1024x256xf32>
    %get3A_282 = arith.constant 2 : index
    %get3A_283 = arith.constant 0 : index
    %get3A_284 = vector.load %arg6[%get3A_282, %get3A_283] : memref<8x256xf32, #tpu.memory_space<vmem>>, vector<1x256xf32>
    %get3A_285 = vector.shape_cast %get3A_284 : vector<1x256xf32> to vector<256xf32>
    %broadcast_in_dim3A_286 = vector.shape_cast %get3A_285 : vector<256xf32> to vector<1x256xf32>
    %add3A_287 = vector.broadcast %broadcast_in_dim3A_286 : vector<1x256xf32> to vector<1024x256xf32>
    %add3A_288 = arith.addf %get3A_31, %add3A_287 : vector<1024x256xf32>
    %add3A_289 = arith.addf %concatenate3A_281, %add3A_288 : vector<1024x256xf32>
    %swap3A_290 = arith.constant 1 : index
    %swap3A_291 = arith.constant 0 : index
    %swap3A_292 = arith.constant 0 : index
    %swap3A_293 = arith.constant 1 : index
    %swap3A_294 = arith.constant 0 : index
    %swap3A_295 = vector.load %arg7[%swap3A_290, %swap3A_291, %swap3A_292, %swap3A_293, %swap3A_294] : memref<2x1x1024x3x256xf32, #tpu.memory_space<vmem>>, vector<1x1x1024x1x256xf32>
    %swap3A_296 = vector.shape_cast %swap3A_295 : vector<1x1x1024x1x256xf32> to vector<1024x256xf32>
    %swap3A_297 = vector.shape_cast %add3A_289 : vector<1024x256xf32> to vector<1x1x1024x1x256xf32>
    tpu.vector_store %arg7[%swap3A_290, %swap3A_291, %swap3A_292, %swap3A_293, %swap3A_294], %swap3A_297 {strides = array<i32>} : memref<2x1x1024x3x256xf32, #tpu.memory_space<vmem>>, vector<1x1x1024x1x256xf32>,
    %get3A_298 = arith.constant 5 : index
    %get3A_299 = arith.constant 0 : index
    %get3A_300 = vector.load %arg6[%get3A_298, %get3A_299] : memref<8x256xf32, #tpu.memory_space<vmem>>, vector<1x256xf32>
    %get3A_301 = vector.shape_cast %get3A_300 : vector<1x256xf32> to vector<256xf32>
    %broadcast_in_dim3A_302 = vector.shape_cast %get3A_301 : vector<256xf32> to vector<1x256xf32>
    %broadcast_in_dim3A_303 = vector.broadcast %broadcast_in_dim3A_302 : vector<1x256xf32> to vector<1024x256xf32>
    %swap3A_304 = arith.constant 1 : index
    %swap3A_305 = arith.constant 0 : index
    %swap3A_306 = arith.constant 0 : index
    %swap3A_307 = arith.constant 2 : index
    %swap3A_308 = arith.constant 0 : index
    %swap3A_309 = vector.load %arg7[%swap3A_304, %swap3A_305, %swap3A_306, %swap3A_307, %swap3A_308] : memref<2x1x1024x3x256xf32, #tpu.memory_space<vmem>>, vector<1x1x1024x1x256xf32>
    %swap3A_310 = vector.shape_cast %swap3A_309 : vector<1x1x1024x1x256xf32> to vector<1024x256xf32>
    %swap3A_311 = vector.shape_cast %broadcast_in_dim3A_303 : vector<1024x256xf32> to vector<1x1x1024x1x256xf32>
    tpu.vector_store %arg7[%swap3A_304, %swap3A_305, %swap3A_306, %swap3A_307, %swap3A_308], %swap3A_311 {strides = array<i32>} : memref<2x1x1024x3x256xf32, #tpu.memory_space<vmem>>, vector<1x1x1024x1x256xf32>,
    return
  }
  func.func @transform_0(%arg0: i32, %arg1: i32) -> (i32, i32, i32) {
    %c0_i32 = arith.constant 0 : i32
    %c0_i32_0 = arith.constant 0 : i32
    return %arg0, %arg1, %c0_i32 : i32, i32, i32
  }
  func.func @transform_1(%arg0: i32, %arg1: i32) -> (i32, i32, i32) {
    %c0_i32 = arith.constant 0 : i32
    %c0_i32_0 = arith.constant 0 : i32
    return %arg0, %arg1, %c0_i32 : i32, i32, i32
  }
  func.func @transform_2(%arg0: i32, %arg1: i32) -> (i32, i32, i32) {
    %c0_i32 = arith.constant 0 : i32
    %c0_i32_0 = arith.constant 0 : i32
    return %arg0, %arg1, %c0_i32 : i32, i32, i32
  }
  func.func @transform_3(%arg0: i32, %arg1: i32) -> (i32, i32) {
    %c0_i32 = arith.constant 0 : i32
    %c0_i32_0 = arith.constant 0 : i32
    %c0_i32_1 = arith.constant 0 : i32
    return %c0_i32, %c0_i32_0 : i32, i32
  }
  func.func @transform_4(%arg0: i32, %arg1: i32) -> (i32, i32) {
    %c0_i32 = arith.constant 0 : i32
    %c0_i32_0 = arith.constant 0 : i32
    %c0_i32_1 = arith.constant 0 : i32
    return %c0_i32, %c0_i32_0 : i32, i32
  }
  func.func @transform_5(%arg0: i32, %arg1: i32) -> (i32, i32, i32, i32, i32) {
    %c0_i32 = arith.constant 0 : i32
    %c0_i32_0 = arith.constant 0 : i32
    %c0_i32_1 = arith.constant 0 : i32
    %c0_i32_2 = arith.constant 0 : i32
    return %c0_i32, %arg0, %arg1, %c0_i32_0, %c0_i32_1 : i32, i32, i32, i32, i32
  }
}

</mosaic_0001>

<sc_bundles>
// kernel: sparse-core-data-format-call.cloned.1.call-start
scs
called_computation_lowered:
.L_overlay_start_0:
0x0: {  	s2 =	sld [smem:$0x3FD9]  }
0x1: {  	s3 =	sld [smem:$0x3FFE];
	_ =	sdelay $0x1  }
0x2: {  	s1 =	srdreg.scid  }
0x3: {  	s0 =	sand.u32 $0x1, s1  }
0x4: {  	s15 =	sshll.u32 s0, $0xA;
	s2 =	sadd.s32 s3, s2  }
0x5: {  	s2 =	sadd.s32 s2, s15  }
0x6: {  	[smem:$0x3FC0] =	sst s2  }
0x7: {  	_ = 	snop  }
0x8: {  	s2 =	sld [smem:$0x3FD0];
	_ =	sdelay $0x2  }
0x9: {  	s16 =	simm.s32 $0xA;
	s4 =	simm.s32 $0x10  }
0xa: {  	[smem:s4], [sflag:s16] =	dma.local [hbm:s2], $0x1  }
0xb: {  	_ =	swait.eq [sflag:s16], $0x1  }
0xc: {  	[sflag:s16] =	ssyncset.done $0x0  }
0xd: {  	[sflag:s16] =	ssyncadd.s32 $0xFFFFFFFF  }
0xe: {  	s17 =	sld [smem:$0x10];
	(tm) =	ssettm $0x1  }
0xf: {  	s18 =	sld [smem:$0x3FFB];
	_ =	sdelay $0x3  }
0x10: {  	_ =	strace s18  }
0x11: {  	s3 =	sld [smem:$0x3FFC];
	_ =	sdelay $0x3  }
0x12: {  	_ =	strace s3  }
0x13: {  	s3 =	sld [smem:$0x3FFD];
	_ =	sdelay $0x3  }
0x14: {  	_ =	strace s3  }
0x15: {  	_ =	strace $0x8FFFFFFF  }
0x16: {  	s19 =	sld [smem:$0x3FDB];
	_ =	sdelay $0x1  }
0x17: {  	s20 =	simm.s32 $_scs_section_size  }
0x18: {  	s5 =	simm.s32 $_size__tile_overlayer_lowered;
	s6 =	simm.s32 $_tile_overlayer_lowered  }
0x19: {  	s23 =	simm.s32 $0x1BFF;
	s22 =	sshll.u32 s6, $0x1;
	s3 =	sadd.s32 s20, s19  }
0x1a: {  	s7 =	simm.s32 $0x0;
	s21 =	sshll.u32 s5, $0x1;
	s5 =	sadd.s32 s22, s3  }
0x1b: {  	[timem:s7], [sflag:s23] =	dma.local [hbm:s5], s21  }
0x1c: {  	_ =	swait.ge [sflag:s23], s21  }
0x1d: {  	s4 =	ssub.s32 $0x0, s21;
	[sflag:s23] =	ssyncset.done $0x0  }
0x1e: {  	[sflag:s23] =	ssyncadd.s32 s4;
	_ =	sdelay $0x1  }
0x1f: {  	s24 =	simm.s32 $0x1B8B  }
0x20: {  	_ =	swait.ge [sflag:s24], $0x1  }
0x21: {  	[sflag:s24] =	ssyncset.done $0x0  }
0x22: {  	s26 =	simm.s32 $0x1B8E;
	s25 =	sld [smem:$0x3FFE];
	[sflag:s24] =	ssyncadd.s32 $0xFFFFFFFF  }
0x23: {  	s27 =	simm.s32 $execute0_lowered;
	[smem:$0x3FD2] =	sst s26  }
0x24: {  	s5 =	sshll.u32 s27, $0x1;
	_ =	strace $0x80000046;
	[dreg:$0x1] =	wrdreg $0xFFFFFFFF  }
0x25: {  	s28 =	simm.s32 $_size_execute0_lowered;
	s3 =	sadd.s32 s3, s5;
	[dreg:$0x0] =	wrdreg $0x0  }
0x26: {  	s5 =	sshll.u32 s28, $0x1;
	[dreg:$0x2] =	wrdreg s3  }
0x27: {  	[dreg:$0x3] =	wrdreg s5  }
0x28: {  	[dreg:$0x4] =	wrdreg $0xC0  }
0x29: {  	_ =	task [dreg:s7], $0x5FFFF  }
0x2a: {  	[dreg:$0x1] =	wrdreg $0xFFFFFFFF  }
0x2b: {  	[dreg:$0x0] =	wrdreg $0x60  }
0x2c: {  	[dreg:$0x2] =	wrdreg s25  }
0x2d: {  	[dreg:$0x3] =	wrdreg s17  }
0x2e: {  	[dreg:$0x4] =	wrdreg $0x9  }
0x2f: {  	_ =	task.clear_ibuf [dreg:s7], $0x5FFFF;
	_ =	strace $0x90000046  }
0x30: {  	s29 =	simm.s32 $0x9;
	_ =	strace $0x80000048  }
0x31: {  	_ =	swait.ge [sflag:s29], $0x1  }
0x32: {  	[sflag:s29] =	ssyncadd.s32 $0xFFFFFFFF  }
0x33: {  	_ =	strace $0x90000048  }
0x34: {  	_ =	sfence  }
0x35: {  	s30 =	sld [smem:$0x0];
	_ =	sdelay $0x2  }
0x36: {  	s31 =	sshll.u32 s1, $0xD;
	s1 =	sshrl.u32 s1, $0x2  }
0x37: {  	s3 =	sand.u32 $0x4000, s31;
	s1 =	sadd.s32 s1, s30  }
0x38: {  	s0 =	sor.u32 s3, s0;
	s1 =	sshll.u32 s1, $0x11  }
0x39: {  	s0 =	sor.u32 s1, s0  }
0x3a: {  	s0 =	sadd.s32 $0x8F2B, s0  }
0x3b: {  	[sflag:s0] =	ssyncadd.remote.s32 $0x1  }
0x3c: {  	_ =	sfence.sel $0xFFFF  }
0x3d: {  	[dreg:$0x0] =	wrdreg $0xFFFFFFFF;
	(pc) =	sbr.abs _section_cstart, $3  }
0x3e: {  	[dreg:$0x1] =	wrdreg $0xFFFFFFFF  }
0x3f: {  	_ =	task.clear_ibuf [dreg:s7], $0x2FFFF;
	_ =	strace $0x9FFFFFFF  }
0x40: {  	(tm) =	ssettm $0x7FFFFFFF  }
0x41: {  	_ =	shalt  }
tec
execute0_lowered:
.L_overlay_start_1:
0x0: {  	(tag) =	ssettag $0x1  }
0x1: {  	s1 =	rddreg [dreg:$0x0]  }
0x2: {  	s2 =	rddreg [dreg:$0x1]  }
0x3: {  	s0 =	rddreg [dreg:$0x2];
	_ =	strace $0x80000047;
	s4 =	srdreg.scid  }
0x4: {  	s6 =	simm.s32 $0x2;
	s12 =	simm.s32 $0x0;
	p0 =	por $0x0, $0x0  }
0x5: {  	s13 =	simm.s32 $0x0;
	s15 =	simm.s32 $0x0;
	s14 =	simm.s32 $0x0  }
.Ltmp0:
0x6: {  	s8 =	simm.s32 $0x0;
	s9 =	simm.s32 $0x0;
	(pc) =	sbr.rel .LBB1_1-.Ltmp0, $4  }
0x7: {  	s10 =	simm.s32 $0x0;
	s3 =	sadd.s32 $0xA00, s1;
	s5 =	sshll.u32 s4, $0x4  }
0x8: {  	s1 =	stileid.u32;
	s4 =	simm.s32 $0x1;
	s5 =	sand.u32 $0x10, s5  }
0x9: {  	s7 =	simm.s32 $0x0;
	[sflag:s4] =	ssyncpa.u1 $0x0;
	s5 =	sor.u32 s1, s5  }
0xa: {  	[sflag:s6] =	ssyncpa.u1 $0x0;
	s6 =	simm.s32 $0x800;
	s11 =	smov.u32 s5  }
.LBB1_5:
0xb: {  	s16 =	sadd.s32 $0x80, s8  }
0xc: {  	s12 =	simm.s32 $0x1;
	p2 =	sgt.s32 s16, $0xFF  }
0xd: {  	s12 =	simm.s32 @!p2 $0x0  }
0xe: {  	s17 =	sadd.s32 s12, s9  }
0xf: {  	s18 =	smov.u32 s10;
	s12 =	sadd.s32 $0x80, s10;
	p3 =	sgt.s32 s17, $0x2  }
0x10: {  	s18 =	smov.u32 @p3 s12  }
0x11: {  	s19 =	smov.u32 s11;
	s12 =	sadd.s32 $0x20, s11;
	p4 =	sgt.s32 s18, $0x3FF  }
0x12: {  	p1 =	slt.u32 s7, $0x2;
	s19 =	smov.u32 @p4 s12  }
0x13: {  	s7 =	sadd.s32 $0x1, s7;
	s16 =	simm.s32 @p2 $0x0;
	p2 =	sgt.s32 s19, $0x1F  }
0x14: {  	s20 =	simm.s32 @!p1 $0x2;
	s19 =	smov.u32 @p2 s5;
	p2 =	sne.s32 s7, $0x32  }
.Ltmp1:
0x15: {  	s13 =	smov.u32 s9;
	_ =	swait.ge @!p1 [sflag:s20], $0x4000;
	(pc) =	sbr.rel @!p2 .LBB1_6-.Ltmp1, $4  }
0x16: {  	s15 =	smov.u32 s10;
	s14 =	smov.u32 s11;
	[sflag:s20] =	ssyncset.done @!p1 $0x0  }
0x17: {  	p0 =	por !p0, !p0;
	[sflag:s20] =	ssyncadd.s32 @!p1 $0xFFFFC000;
	s17 =	simm.s32 @p3 $0x0  }
0x18: {  	s9 =	smov.u32 s17;
	s18 =	simm.s32 @p4 $0x0;
	s12 =	smov.u32 s8  }
0x19: {  	s8 =	smov.u32 s16;
	s10 =	smov.u32 s18;
	s11 =	smov.u32 s19  }
.LBB1_1:
0x1a: {  	p1 =	sgt.u32 s7, $0x2F  }
0x1b: {  	s16 =	sxor.u32 @!p1 $0xFFFFFFFF, s7;
	s17 =	sshll.u32 @!p1 s8, $0x2  }
0x1c: {  	s18 =	sshll.u32 @!p1 s9, $0x7;
	s19 =	sand.u32 @!p1 $0x78, s8;
	s20 =	sshll.u32 @!p1 s11, $0x11  }
0x1d: {  	s21 =	sshll.u32 @!p1 s10, $0x7;
	s16 =	sshll.u32 @!p1 s16, $0xE;
	s18 =	sand.u32 @!p1 $0x180, s18  }
0x1e: {  	s17 =	sand.u32 @!p1 $0x200, s17;
	s16 =	sand.u32 @!p1 $0x4000, s16;
	s18 =	sor.u32 @!p1 s19, s18  }
0x1f: {  	s19 =	sand.u32 @!p1 $0x7, s8;
	s17 =	sor.u32 @!p1 s17, s18;
	s18 =	sadd.s32 @!p1 s3, s20  }
0x20: {  	s19 =	sshll.u32 @!p1 s19, $0x12;
	s17 =	sshrl.u32 @!p1 s17, $0x3;
	s18 =	sadd.s32 @!p1 s21, s18  }
0x21: {  	s17 =	sadd.s32 @!p1 s17, s18;
	s18 =	sor.u32 @!p1 $0x80, s19;
	s19 =	simm.s32 @!p1 $0x400  }
0x22: {  	[tilespmem:s16], [sflag:$0x1] =	stream.strided.gather @!p1 [hbm4b:s17+s18], $0x4000, s19, s18, $0x38;
	[tilespmem:$0x10000] =	vst v63  }
0x23: {  	p1 =	seq.s32 s7, $0x0  }
0x24: {  	p2 =	seq.s32 @!p1 s7, $0x31  }
0x25: {  	p1 =	por p1, p2  }
.Ltmp2:
0x26: {  	_ = 	snop;
	(pc) =	sbr.rel @p1 .LBB1_5-.Ltmp2, $1  }
0x27: {  	_ =	sdelay $0x3  }
0x28: {  	s16 =	simm.s32 $0x1  }
0x29: {  	s16 =	simm.s32 @!p0 $0x0  }
0x2a: {  	s16 =	sshll.u32 s16, $0xE  }
0x2b: {  	s17 =	sor.u32 $0x70, s16  }
0x2c: {  	v1 =	vmov s17;
	_ =	sdelay $0x1  }
0x2d: {  	_ =	swait.ge [sflag:s4], $0x4000  }
0x2e: {  	[sflag:s4] =	ssyncset.done $0x0  }
0x2f: {  	s18 =	simm.s32 $0x0;
	[sflag:s4] =	ssyncadd.s32 $0xFFFFC000  }
0x30: {  	s16 =	sor.u32 $0x8040, s16;
	v7 =	vld.idx.msk [tilespmem:v1+s18+$0x0 ss:$0x1], $0xffff  }
0x31: {  	v0 =	vmov s16;
	v8 =	vld.idx.msk [tilespmem:v1+s18+$0xFFFFFF90 ss:$0x1], $0xffff  }
0x32: {  	v6 =	vld.idx.msk [tilespmem:v1+s18+$0xFFFFFFA0 ss:$0x1], $0xffff  }
0x33: {  	v4 =	vld.idx.msk [tilespmem:v1+s18+$0xFFFFFFB0 ss:$0x1], $0xffff  }
0x34: {  	v2 =	vld.idx.msk [tilespmem:v1+s18+$0xFFFFFFC0 ss:$0x1], $0xffff  }
0x35: {  	s31 =	sshll.u32 s7, $0xE;
	v3 =	vld.idx.msk [tilespmem:v1+s18+$0xFFFFFFD0 ss:$0x1], $0xffff  }
0x36: {  	s16 =	sand.u32 $0x4000, s31;
	v5 =	vld.idx.msk [tilespmem:v1+s18+$0xFFFFFFE0 ss:$0x1], $0xffff;
	[tilespmem:v0+s18+$0x30 ss:$0x1] =	vst.idx.msk $0xffff, v7  }
0x37: {  	s19 =	simm.s32 $0x400;
	s17 =	simm.s32 $0x80;
	s16 =	sor.u32 $0x8000, s16;
	[tilespmem:v0+s18+$0xFFFFFFC0 ss:$0x1] =	vst.idx.msk $0xffff, v8;
	v7 =	vld.idx.msk [tilespmem:v1+s18+$0xFFFFFFF0 ss:$0x1], $0xffff  }
.LBB1_3:
0x38: {  	p1 =	sne.s32 s19, $0xFE00;
	v8 =	vld.idx.msk [tilespmem:v1+s17+$0x0 ss:$0x1], $0xffff;
	[tilespmem:v0+s18+$0xFFFFFFD0 ss:$0x1] =	vst.idx.msk $0xffff, v6  }
0x39: {  	v9 =	vld.idx.msk [tilespmem:v1+s17+$0xFFFFFF90 ss:$0x1], $0xffff;
	[tilespmem:v0+s18+$0xFFFFFFE0 ss:$0x1] =	vst.idx.msk $0xffff, v4  }
0x3a: {  	v6 =	vld.idx.msk [tilespmem:v1+s17+$0xFFFFFFA0 ss:$0x1], $0xffff;
	[tilespmem:v0+s18+$0xFFFFFFF0 ss:$0x1] =	vst.idx.msk $0xffff, v2  }
.Ltmp3:
0x3b: {  	v4 =	vld.idx.msk [tilespmem:v1+s17+$0xFFFFFFB0 ss:$0x1], $0xffff;
	[tilespmem:v0+s18+$0x0 ss:$0x1] =	vst.idx.msk $0xffff, v3;
	(pc) =	sbr.rel @p1 .LBB1_3-.Ltmp3, $4  }
0x3c: {  	v2 =	vld.idx.msk [tilespmem:v1+s17+$0xFFFFFFC0 ss:$0x1], $0xffff;
	[tilespmem:v0+s18+$0x10 ss:$0x1] =	vst.idx.msk $0xffff, v5  }
0x3d: {  	v3 =	vld.idx.msk [tilespmem:v1+s17+$0xFFFFFFD0 ss:$0x1], $0xffff;
	[tilespmem:v0+s18+$0x20 ss:$0x1] =	vst.idx.msk $0xffff, v7;
	s18 =	smov.u32 s17  }
0x3e: {  	v5 =	vld.idx.msk [tilespmem:v1+s18+$0xFFFFFFE0 ss:$0x1], $0xffff;
	[tilespmem:v0+s18+$0x30 ss:$0x1] =	vst.idx.msk $0xffff, v8  }
0x3f: {  	s17 =	sshra.s32 s19, $0x2;
	s19 =	sadd.s32 $0x200, s19;
	[tilespmem:v0+s18+$0xFFFFFFC0 ss:$0x1] =	vst.idx.msk $0xffff, v9;
	v7 =	vld.idx.msk [tilespmem:v1+s18+$0xFFFFFFF0 ss:$0x1], $0xffff  }
0x40: {  	_ =	sdelay $0x3  }
0x41: {  	[tilespmem:v0+s18+$0xFFFFFFD0 ss:$0x1] =	vst.idx.msk $0xffff, v6  }
0x42: {  	v56 =	vld.idx.msk [tilespmem:v1+s17+$0x0 ss:$0x1], $0xffff;
	[tilespmem:v0+s18+$0xFFFFFFE0 ss:$0x1] =	vst.idx.msk $0xffff, v4  }
0x43: {  	v57 =	vld.idx.msk [tilespmem:v1+s17+$0xFFFFFF90 ss:$0x1], $0xffff;
	[tilespmem:v0+s18+$0xFFFFFFF0 ss:$0x1] =	vst.idx.msk $0xffff, v2  }
0x44: {  	v58 =	vld.idx.msk [tilespmem:v1+s17+$0xFFFFFFA0 ss:$0x1], $0xffff;
	[tilespmem:v0+s18+$0x0 ss:$0x1] =	vst.idx.msk $0xffff, v3  }
0x45: {  	v59 =	vld.idx.msk [tilespmem:v1+s17+$0xFFFFFFB0 ss:$0x1], $0xffff;
	[tilespmem:v0+s18+$0x10 ss:$0x1] =	vst.idx.msk $0xffff, v5  }
0x46: {  	v60 =	vld.idx.msk [tilespmem:v1+s17+$0xFFFFFFC0 ss:$0x1], $0xffff;
	s27 =	sshll.u32 s15, $0x8;
	[tilespmem:v0+s18+$0x20 ss:$0x1] =	vst.idx.msk $0xffff, v7  }
0x47: {  	s19 =	sshll.u32 s12, $0x3;
	v61 =	vld.idx.msk [tilespmem:v1+s17+$0xFFFFFFD0 ss:$0x1], $0xffff;
	s20 =	sand.u32 $0x78, s12;
	s28 =	sshll.u32 s15, $0x7;
	[tilespmem:v0+s17+$0x30 ss:$0x1] =	vst.idx.msk $0xffff, v56  }
0x48: {  	v62 =	vld.idx.msk [tilespmem:v1+s17+$0xFFFFFFE0 ss:$0x1], $0xffff;
	s14 =	smul.u32 $0x18000, s14;
	s13 =	sshll.u32 s13, $0xF;
	s30 =	sand.u32 $0x7, s12;
	[tilespmem:v0+s17+$0xFFFFFFC0 ss:$0x1] =	vst.idx.msk $0xffff, v57  }
0x49: {  	v63 =	vld.idx.msk [tilespmem:v1+s17+$0xFFFFFFF0 ss:$0x1], $0xffff;
	s19 =	sand.u32 $0x3FC00, s19;
	s15 =	sand.u32 $0x80, s28;
	s18 =	sand.u32 $0x3F800, s27;
	[tilespmem:v0+s17+$0xFFFFFFD0 ss:$0x1] =	vst.idx.msk $0xffff, v58  }
0x4a: {  	s29 =	sand.u32 $0x300, s28;
	s15 =	sor.u32 s15, s20;
	s18 =	sadd.s32 s18, s19;
	[tilespmem:v0+s17+$0xFFFFFFE0 ss:$0x1] =	vst.idx.msk $0xffff, v59  }
.Ltmp4:
0x4b: {  	s14 =	sadd.s32 s2, s14;
	[tilespmem:v0+s17+$0xFFFFFFF0 ss:$0x1] =	vst.idx.msk $0xffff, v60;
	s18 =	sor.u32 s29, s18;
	(pc) =	sbr.rel .LBB1_5-.Ltmp4, $4  }
0x4c: {  	s15 =	sshrl.u32 s15, $0x3;
	s13 =	sadd.s32 s13, s14;
	[tilespmem:v0+s17+$0x0 ss:$0x1] =	vst.idx.msk $0xffff, v61;
	s18 =	sshrl.u32 s18, $0x3  }
0x4d: {  	s12 =	sshll.u32 s30, $0x12;
	s13 =	sadd.s32 s15, s13;
	[tilespmem:v0+s17+$0x10 ss:$0x1] =	vst.idx.msk $0xffff, v62;
	s31 =	sand.u32 $0x7FE0, s18  }
0x4e: {  	s12 =	sor.u32 $0x400, s12;
	[tilespmem:v0+s17+$0x20 ss:$0x1] =	vst.idx.msk $0xffff, v63;
	s13 =	sadd.s32 s31, s13  }
0x4f: {  	[hbm4b:s13+s12] =	stream.strided.scatter [tilespmem:s16], [sflag:$0x2], $0x4000, s6, s12, $0x38;
	[tilespmem:$0x10000] =	vst v63  }
.LBB1_6:
0x50: {  	_ =	sfence.sel $0x180000  }
0x51: {  	s2 =	simm.s32 $0x1;
	[bflag:$0x0] =	sbarrier.arrive $0xFFFF  }
0x52: {  	s31 =	simm.s32 $0x2;
	[sflag:s2] =	ssyncpa.u1 $0x1  }
0x53: {  	[sflag:s31] =	ssyncpa.u1 $0x1  }
0x54: {  	p0 =	sne.s32 s1, $0x0;
	_ =	strace $0x90000047  }
0x55: {  	s0 =	sadd.s32 @!p0 $0x100000, s0;
	[bflag:$0x2] =	sbarrier.arrive $0xFFFF  }
0x56: {  	[sflag:s0] =	ssyncadd.tile.s32 @!p0 $0x1;
	_ =	shalt  }
.Lfunc_end1:
_tile_overlayer_lowered:
.L_overlay_start_2:
0x57: {  	(tag) =	ssettag $0x2  }
0x58: {  	s0 =	rddreg [dreg:$0x0];
	s2 =	stileid.u32  }
0x59: {  	s1 =	rddreg [dreg:$0x1];
	p0 =	sne.s32 s2, $0x0  }
0x5a: {  	s3 =	rddreg [dreg:$0x2];
	[bflag:$0x3] =	sbarrier.arrive $0xFFFF;
	s2 =	simm.s32 @!p0 $0x1C01  }
0x5b: {  	[timem:s3], [sflag:s2] =	dma.local @!p0 [hbm:s0], s1  }
0x5c: {  	s0 =	simm.s32 @!p0 $0x1  }
0x5d: {  	_ =	swait.ge @!p0 [sflag:s0], s1  }
0x5e: {  	s1 =	ssub.s32 @!p0 $0x0, s1;
	[sflag:s0] =	ssyncset.done @!p0 $0x0  }
0x5f: {  	[sflag:s0] =	ssyncadd.s32 @!p0 s1  }
0x60: {  	[bflag:$0x3] =	sbarrier.arrive $0xFFFF  }
0x61: {  	_ =	shalt  }

</sc_bundles>
